<compile_context>
chip_gen: v7x
topology: tpu7x:2x2x1
jax: 0.10.2.dev20260603
libtpu: 0.0.44.dev20260713+nightly
codegen_flags: <defaults>
</compile_context>

<pallas_src>
import functools

import jax
import jax.numpy as jnp
from jax import lax
from jax.experimental import pallas as pl
from jax.experimental.pallas import tpu as pltpu
from jax.experimental.pallas import tpu_sc as plsc

N = 10000
E = 320000
F_IN = 128
DIM = 95
G = 64
OUT = 10

DIMP = 96
HID2 = 192
NW = 32
CHUNK = 128
NC0 = 116
NC1 = 42
NCMAX = max(NC0, NC1)
NACC = 10112
ROWS_PER_TILE = NACC // 16

R = 1000
NBLK = N // R


def _edge_agg_kernel(x_hbm, srcp_hbm, dstp_hbm, zeros_hbm, out_hbm,
                     src_v, dst_v, rows_v, acc_sh, sem):
    c = lax.axis_index("c")
    s = lax.axis_index("s")
    wid = s * 2 + c

    pltpu.sync_copy(zeros_hbm.at[pl.ds(s * ROWS_PER_TILE, ROWS_PER_TILE)],
                    acc_sh.at[pl.ds(s * ROWS_PER_TILE, ROWS_PER_TILE)])

    pltpu.sync_copy(srcp_hbm.at[wid], src_v)
    pltpu.sync_copy(dstp_hbm.at[wid], dst_v)
    plsc.subcore_barrier()

    def body(j, carry):
        pltpu.async_copy(x_hbm.at[src_v.at[j]], rows_v, sem).wait()
        pltpu.sync_copy(rows_v, acc_sh.at[dst_v.at[j]], add=True)
        return carry

    lax.fori_loop(0, jnp.where(c == 0, NC0, NC1), body, 0)
    plsc.subcore_barrier()

    pltpu.sync_copy(acc_sh.at[pl.ds(s * ROWS_PER_TILE, ROWS_PER_TILE)],
                    out_hbm.at[c, pl.ds(s * ROWS_PER_TILE, ROWS_PER_TILE)])


def _make_edge_agg():
    mesh = plsc.VectorSubcoreMesh(core_axis_name="c", subcore_axis_name="s")
    return functools.partial(
        pl.kernel,
        mesh=mesh,
        out_type=jax.ShapeDtypeStruct((2, NACC, F_IN), jnp.float32),
        scratch_types=[
            pltpu.VMEM((NCMAX, CHUNK), jnp.int32),
            pltpu.VMEM((NCMAX, CHUNK), jnp.int32),
            pltpu.VMEM((CHUNK, F_IN), jnp.float32),
            pltpu.VMEM_SHARED((NACC, F_IN), jnp.float32),
            pltpu.SemaphoreType.DMA,
        ],
    )(_edge_agg_kernel)


_edge_agg = _make_edge_agg()


def _tc_main_body(x_ref, a0_ref, a1_ref, b_ref, W1_ref, b1_ref, W2_ref, b2_ref,
                  s1_ref, s2_ref, seg_ref, cnt_ref):
    i = pl.program_id(0)
    h = x_ref[...] + a0_ref[0] + a1_ref[0]
    t = jnp.maximum(
        jnp.dot(h, W1_ref[...], preferred_element_type=jnp.float32) + b1_ref[...],
        0.0)
    h2 = jnp.maximum(
        jnp.dot(t, W2_ref[...], preferred_element_type=jnp.float32) + b2_ref[...],
        0.0)
    oh = (b_ref[...] == lax.broadcasted_iota(jnp.int32, (R, G), 1)
          ).astype(jnp.float32)
    segp = lax.dot_general(oh, h2, (((0,), (0,)), ((), ())),
                           preferred_element_type=jnp.float32)

    @pl.when(i == 0)
    def _():
        s1_ref[...] = jnp.zeros_like(s1_ref)
        s2_ref[...] = jnp.zeros_like(s2_ref)
        seg_ref[...] = jnp.zeros_like(seg_ref)
        cnt_ref[...] = jnp.zeros_like(cnt_ref)

    s1_ref[...] += jnp.sum(h2, axis=0, keepdims=True)
    s2_ref[...] += jnp.sum(h2 * h2, axis=0, keepdims=True)
    seg_ref[...] += segp
    cnt_ref[...] += jnp.sum(oh, axis=0, keepdims=True)


def _tc_main(x, agg2, batch2, W1p, b1p, W2p, b2p):
    return pl.pallas_call(
        _tc_main_body,
        grid=(NBLK,),
        in_specs=[
            pl.BlockSpec((R, F_IN), lambda i: (i, 0)),
            pl.BlockSpec((1, R, F_IN), lambda i: (0, i, 0)),
            pl.BlockSpec((1, R, F_IN), lambda i: (1, i, 0)),
            pl.BlockSpec((R, 1), lambda i: (i, 0)),
            pl.BlockSpec((F_IN, DIMP), lambda i: (0, 0)),
            pl.BlockSpec((1, DIMP), lambda i: (0, 0)),
            pl.BlockSpec((DIMP, DIMP), lambda i: (0, 0)),
            pl.BlockSpec((1, DIMP), lambda i: (0, 0)),
        ],
        out_specs=[
            pl.BlockSpec((1, DIMP), lambda i: (0, 0)),
            pl.BlockSpec((1, DIMP), lambda i: (0, 0)),
            pl.BlockSpec((G, DIMP), lambda i: (0, 0)),
            pl.BlockSpec((1, G), lambda i: (0, 0)),
        ],
        out_shape=[
            jax.ShapeDtypeStruct((1, DIMP), jnp.float32),
            jax.ShapeDtypeStruct((1, DIMP), jnp.float32),
            jax.ShapeDtypeStruct((G, DIMP), jnp.float32),
            jax.ShapeDtypeStruct((1, G), jnp.float32),
        ],
    )(x, agg2, agg2, batch2, W1p, b1p, W2p, b2p)


def _tc_final_body(s1_ref, s2_ref, seg_ref, cnt_ref, g_ref, be_ref,
                   f1w_ref, f1b_ref, f2w_ref, f2b_ref, o_ref):
    inv_n = jnp.float32(1.0 / N)
    mean = s1_ref[...] * inv_n
    var = s2_ref[...] * inv_n - mean * mean
    a = g_ref[...] * lax.rsqrt(var + 1e-5)
    c = be_ref[...] - mean * a
    counts = jnp.reshape(cnt_ref[...], (G, 1))
    pooled = seg_ref[...] * a + counts * c
    u = jnp.maximum(
        jnp.dot(pooled, f1w_ref[...], preferred_element_type=jnp.float32)
        + f1b_ref[...], 0.0)
    o_ref[...] = (jnp.dot(u, f2w_ref[...], preferred_element_type=jnp.float32)
                  + f2b_ref[...])


def _tc_final(s1, s2, seg, cnt, gp, bp, f1wp, f1bp, f2wp, f2b2):
    return pl.pallas_call(
        _tc_final_body,
        out_shape=jax.ShapeDtypeStruct((G, OUT), jnp.float32),
    )(s1, s2, seg, cnt, gp, bp, f1wp, f1bp, f2wp, f2b2)


@jax.jit
def kernel(x, edge_index, batch, W1, b1, W2, b2, gamma, beta,
           fc1_W, fc1_b, fc2_W, fc2_b):
    src = edge_index[0]
    dst = edge_index[1]
    row_cap = NCMAX * CHUNK
    pad_dst = N + jnp.arange(row_cap, dtype=jnp.int32) % (NACC - N)
    pad_src = jnp.zeros((row_cap,), jnp.int32)
    sp, dp_, off = [], [], 0
    for w in range(NW):
        lw = (NC0 if w % 2 == 0 else NC1) * CHUNK
        take = min(lw, E - off)
        sp.append(jnp.concatenate([src[off:off + take], pad_src[:row_cap - take]]))
        dp_.append(jnp.concatenate([dst[off:off + take], pad_dst[:row_cap - take]]))
        off += take
    srcp = jnp.stack(sp).reshape(NW, NCMAX, CHUNK)
    dstp = jnp.stack(dp_).reshape(NW, NCMAX, CHUNK)
    zeros = jnp.zeros((NACC, F_IN), jnp.float32)

    agg2 = _edge_agg(x, srcp, dstp, zeros)

    dp = DIMP - DIM
    batch2 = batch.reshape(N, 1)
    W1p = jnp.pad(W1, ((0, 0), (0, dp)))
    b1p = jnp.pad(b1, (0, dp)).reshape(1, DIMP)
    W2p = jnp.pad(W2, ((0, dp), (0, dp)))
    b2p = jnp.pad(b2, (0, dp)).reshape(1, DIMP)

    s1, s2, seg, cnt = _tc_main(x, agg2, batch2, W1p, b1p, W2p, b2p)

    hp = HID2 - 2 * DIM
    gp = jnp.pad(gamma, (0, dp)).reshape(1, DIMP)
    bp = jnp.pad(beta, (0, dp)).reshape(1, DIMP)
    f1wp = jnp.pad(fc1_W, ((0, dp), (0, hp)))
    f1bp = jnp.pad(fc1_b, (0, hp)).reshape(1, HID2)
    f2wp = jnp.pad(fc2_W, ((0, hp), (0, 0)))
    f2b2 = fc2_b.reshape(1, OUT)

    return _tc_final(s1, s2, seg, cnt, gp, bp, f1wp, f1bp, f2wp, f2b2)

# --- scband reference (transcript-rebuilt; emitter-appended) ---
"""Pipeline reference for scband-ginet-55439437856837 (READ-ONLY COPY).

The authoritative reference and input builder live on the scoring server;
editing this copy changes nothing except your own understanding.
"""

import jax, jax.numpy as jnp
import numpy as np

N = 10000
E = 320000
F_IN = 128
DIM = 95
G = 64
OUT = 10


def _lin_init(key, fan_in, shape):
    s = 1.0 / np.sqrt(fan_in)
    return jax.random.uniform(key, shape, minval=-s, maxval=s, dtype=jnp.float32)


def setup_inputs(seed: int = 0) -> dict:
    key = jax.random.key(seed)
    ks = jax.random.split(key, 16)
    x = jax.random.normal(ks[0], (N, F_IN), dtype=jnp.float32)
    edge_index = jax.random.randint(ks[1], (2, E), 0, N, dtype=jnp.int32)
    batch = jnp.sort(jax.random.randint(ks[2], (N,), 0, G, dtype=jnp.int32))
    W1 = _lin_init(ks[3], F_IN, (F_IN, DIM))
    b1 = _lin_init(ks[4], F_IN, (DIM,))
    W2 = _lin_init(ks[5], DIM, (DIM, DIM))
    b2 = _lin_init(ks[6], DIM, (DIM,))
    gamma = jnp.ones((DIM,), dtype=jnp.float32)
    beta = jnp.zeros((DIM,), dtype=jnp.float32)
    fc1_W = _lin_init(ks[7], DIM, (DIM, 2 * DIM))
    fc1_b = _lin_init(ks[8], DIM, (2 * DIM,))
    fc2_W = _lin_init(ks[9], 2 * DIM, (2 * DIM, OUT))
    fc2_b = _lin_init(ks[10], 2 * DIM, (OUT,))
    return {"x": x, "edge_index": edge_index, "batch": batch,
            "W1": W1, "b1": b1, "W2": W2, "b2": b2,
            "gamma": gamma, "beta": beta,
            "fc1_W": fc1_W, "fc1_b": fc1_b, "fc2_W": fc2_W, "fc2_b": fc2_b}


def reference(x, edge_index, batch, W1, b1, W2, b2, gamma, beta, fc1_W, fc1_b, fc2_W, fc2_b):
    src = edge_index[0]
    dst = edge_index[1]
    # GINConv (eps=0): h_i = nn((1+eps)*x_i + sum_{j in N(i)} x_j)
    agg = jnp.zeros_like(x).at[dst].add(x[src])
    h = x + agg
    # nn1 = Linear(F_IN, DIM) -> ReLU -> Linear(DIM, DIM)
    h = jnp.maximum(h @ W1 + b1, 0.0) @ W2 + b2
    h = jnp.maximum(h, 0.0)  # F.relu after conv1
    # BatchNorm1d in training mode: batch statistics over nodes (biased var)
    mean = jnp.mean(h, axis=0)
    var = jnp.var(h, axis=0)
    h = (h - mean) * jax.lax.rsqrt(var + 1e-5) * gamma + beta
    # global_add_pool over per-graph segments
    pooled = jax.ops.segment_sum(h, batch, num_segments=G)
    out = jnp.maximum(pooled @ fc1_W + fc1_b, 0.0)
    out = out @ fc2_W + fc2_b
    return out

if __name__ == "__main__":
    import jax
    _d = setup_inputs()
    print(jax.jit(kernel)(*tuple(_d.values())))

</pallas_src>

<mosaic_0001>
#map = affine_map<(d0, d1) -> (0, 0)>
#map1 = affine_map<(d0, d1) -> (0, 0, 0)>
module attributes {stable_mosaic.version = 14 : i64} {
  func.func @_edge_agg_kernel(%arg0: i32, %arg1: i32, %arg2: memref<10000x128xf32, #tpu.memory_space<hbm>>, %arg3: memref<32x116x128xi32, #tpu.memory_space<hbm>>, %arg4: memref<32x116x128xi32, #tpu.memory_space<hbm>>, %arg5: memref<10112x128xf32, #tpu.memory_space<hbm>>, %arg6: memref<2x10112x128xf32, #tpu.memory_space<hbm>>, %arg7: memref<116x128xi32, #tpu.memory_space<vmem>>, %arg8: memref<116x128xi32, #tpu.memory_space<vmem>>, %arg9: memref<128x128xf32, #tpu.memory_space<vmem>>, %arg10: memref<10112x128xf32, #tpu.memory_space<vmem_shared>>, %arg11: memref<!tpu.dma_semaphore, #tpu.memory_space<semaphore_mem>>) attributes {dimension_semantics = [#tpu.dimension_semantics<core_parallel>, #tpu.dimension_semantics<subcore_parallel>], iteration_bounds = array<i64: 2, 16>, scalar_prefetch = 0 : i64, scratch_operands = 5 : i64, tpu.core_type = #tpu.core_type<sc_vector_subcore>, window_params = [{transform_indices = #map}, {transform_indices = #map1}, {transform_indices = #map1}, {transform_indices = #map}, {transform_indices = #map1}]} {
    %mul3A = arith.constant 2 : i32
    %mul3A_0 = arith.muli %arg1, %mul3A : i32
    %add3A = arith.addi %mul3A_0, %arg0 : i32
    %mul3A_1 = arith.constant 632 : i32
    %mul3A_2 = arith.muli %arg1, %mul3A_1 : i32
    %mul3A_3 = arith.constant 632 : i32
    %mul3A_4 = arith.muli %arg1, %mul3A_3 : i32
    "tpu.region"() ({
      %run_scoped3A = tpu.sem_alloc : memref<!tpu.dma_semaphore, #tpu.memory_space<semaphore_mem>>
      %dma_start3A = arith.constant 0 : i32
      %dma_start3A_21 = tpu.memref_slice %arg10[%mul3A_4, %dma_start3A] : memref<10112x128xf32, #tpu.memory_space<vmem_shared>> -> memref<632x128xf32, #tpu.memory_space<vmem_shared>>
      %dma_start3A_22 = arith.constant 0 : i32
      %dma_start3A_23 = tpu.memref_slice %arg5[%mul3A_2, %dma_start3A_22] : memref<10112x128xf32, #tpu.memory_space<hbm>> -> memref<632x128xf32, #tpu.memory_space<hbm>>
      tpu.enqueue_dma source(%dma_start3A_23 : memref<632x128xf32, #tpu.memory_space<hbm>>) target(%dma_start3A_21 : memref<632x128xf32, #tpu.memory_space<vmem_shared>>) target_semaphore(%run_scoped3A : memref<!tpu.dma_semaphore, #tpu.memory_space<semaphore_mem>>)
      %dma_wait3A = arith.constant 0 : i32
      %dma_wait3A_24 = tpu.memref_slice %arg10[%mul3A_4, %dma_wait3A] : memref<10112x128xf32, #tpu.memory_space<vmem_shared>> -> memref<632x128xf32, #tpu.memory_space<vmem_shared>>
      %dma_wait3A_25 = arith.constant 0 : i32
      %dma_wait3A_26 = tpu.memref_slice %arg5[%mul3A_2, %dma_wait3A_25] : memref<10112x128xf32, #tpu.memory_space<hbm>> -> memref<632x128xf32, #tpu.memory_space<hbm>>
      tpu.wait_dma2 semaphore(%run_scoped3A : memref<!tpu.dma_semaphore, #tpu.memory_space<semaphore_mem>>) src(%dma_wait3A_26 : memref<632x128xf32, #tpu.memory_space<hbm>>) dst(%dma_wait3A_24 : memref<632x128xf32, #tpu.memory_space<vmem_shared>>)
      tpu.yield
    }) : () -> ()
    "tpu.region"() ({
      %run_scoped3A = tpu.sem_alloc : memref<!tpu.dma_semaphore, #tpu.memory_space<semaphore_mem>>
      %dma_start3A = arith.constant 0 : i32
      %dma_start3A_21 = arith.constant 0 : i32
      %dma_start3A_22 = tpu.memref_slice %arg3[%add3A, %dma_start3A, %dma_start3A_21] : memref<32x116x128xi32, #tpu.memory_space<hbm>> -> memref<1x116x128xi32, #tpu.memory_space<hbm>>
      %dma_start3A_23 = tpu.memref_squeeze %dma_start3A_22 : memref<1x116x128xi32, #tpu.memory_space<hbm>> -> memref<116x128xi32, #tpu.memory_space<hbm>>
      %dma_start3A_24 = arith.constant 0 : i32
      %dma_start3A_25 = arith.constant 0 : i32
      %dma_start3A_26 = tpu.memref_slice %arg3[%add3A, %dma_start3A_24, %dma_start3A_25] : memref<32x116x128xi32, #tpu.memory_space<hbm>> -> memref<1x116x128xi32, #tpu.memory_space<hbm>>
      %dma_start3A_27 = tpu.memref_squeeze %dma_start3A_26 : memref<1x116x128xi32, #tpu.memory_space<hbm>> -> memref<116x128xi32, #tpu.memory_space<hbm>>
      tpu.enqueue_dma source(%dma_start3A_27 : memref<116x128xi32, #tpu.memory_space<hbm>>) target(%arg7 : memref<116x128xi32, #tpu.memory_space<vmem>>) target_semaphore(%run_scoped3A : memref<!tpu.dma_semaphore, #tpu.memory_space<semaphore_mem>>)
      %dma_wait3A = arith.constant 0 : i32
      %dma_wait3A_28 = arith.constant 0 : i32
      %dma_wait3A_29 = tpu.memref_slice %arg3[%add3A, %dma_wait3A, %dma_wait3A_28] : memref<32x116x128xi32, #tpu.memory_space<hbm>> -> memref<1x116x128xi32, #tpu.memory_space<hbm>>
      %dma_wait3A_30 = tpu.memref_squeeze %dma_wait3A_29 : memref<1x116x128xi32, #tpu.memory_space<hbm>> -> memref<116x128xi32, #tpu.memory_space<hbm>>
      %dma_wait3A_31 = arith.constant 0 : i32
      %dma_wait3A_32 = arith.constant 0 : i32
      %dma_wait3A_33 = tpu.memref_slice %arg3[%add3A, %dma_wait3A_31, %dma_wait3A_32] : memref<32x116x128xi32, #tpu.memory_space<hbm>> -> memref<1x116x128xi32, #tpu.memory_space<hbm>>
      %dma_wait3A_34 = tpu.memref_squeeze %dma_wait3A_33 : memref<1x116x128xi32, #tpu.memory_space<hbm>> -> memref<116x128xi32, #tpu.memory_space<hbm>>
      tpu.wait_dma2 semaphore(%run_scoped3A : memref<!tpu.dma_semaphore, #tpu.memory_space<semaphore_mem>>) src(%dma_wait3A_34 : memref<116x128xi32, #tpu.memory_space<hbm>>) dst(%arg7 : memref<116x128xi32, #tpu.memory_space<vmem>>)
      tpu.yield
    }) : () -> ()
    "tpu.region"() ({
      %run_scoped3A = tpu.sem_alloc : memref<!tpu.dma_semaphore, #tpu.memory_space<semaphore_mem>>
      %dma_start3A = arith.constant 0 : i32
      %dma_start3A_21 = arith.constant 0 : i32
      %dma_start3A_22 = tpu.memref_slice %arg4[%add3A, %dma_start3A, %dma_start3A_21] : memref<32x116x128xi32, #tpu.memory_space<hbm>> -> memref<1x116x128xi32, #tpu.memory_space<hbm>>
      %dma_start3A_23 = tpu.memref_squeeze %dma_start3A_22 : memref<1x116x128xi32, #tpu.memory_space<hbm>> -> memref<116x128xi32, #tpu.memory_space<hbm>>
      %dma_start3A_24 = arith.constant 0 : i32
      %dma_start3A_25 = arith.constant 0 : i32
      %dma_start3A_26 = tpu.memref_slice %arg4[%add3A, %dma_start3A_24, %dma_start3A_25] : memref<32x116x128xi32, #tpu.memory_space<hbm>> -> memref<1x116x128xi32, #tpu.memory_space<hbm>>
      %dma_start3A_27 = tpu.memref_squeeze %dma_start3A_26 : memref<1x116x128xi32, #tpu.memory_space<hbm>> -> memref<116x128xi32, #tpu.memory_space<hbm>>
      tpu.enqueue_dma source(%dma_start3A_27 : memref<116x128xi32, #tpu.memory_space<hbm>>) target(%arg8 : memref<116x128xi32, #tpu.memory_space<vmem>>) target_semaphore(%run_scoped3A : memref<!tpu.dma_semaphore, #tpu.memory_space<semaphore_mem>>)
      %dma_wait3A = arith.constant 0 : i32
      %dma_wait3A_28 = arith.constant 0 : i32
      %dma_wait3A_29 = tpu.memref_slice %arg4[%add3A, %dma_wait3A, %dma_wait3A_28] : memref<32x116x128xi32, #tpu.memory_space<hbm>> -> memref<1x116x128xi32, #tpu.memory_space<hbm>>
      %dma_wait3A_30 = tpu.memref_squeeze %dma_wait3A_29 : memref<1x116x128xi32, #tpu.memory_space<hbm>> -> memref<116x128xi32, #tpu.memory_space<hbm>>
      %dma_wait3A_31 = arith.constant 0 : i32
      %dma_wait3A_32 = arith.constant 0 : i32
      %dma_wait3A_33 = tpu.memref_slice %arg4[%add3A, %dma_wait3A_31, %dma_wait3A_32] : memref<32x116x128xi32, #tpu.memory_space<hbm>> -> memref<1x116x128xi32, #tpu.memory_space<hbm>>
      %dma_wait3A_34 = tpu.memref_squeeze %dma_wait3A_33 : memref<1x116x128xi32, #tpu.memory_space<hbm>> -> memref<116x128xi32, #tpu.memory_space<hbm>>
      tpu.wait_dma2 semaphore(%run_scoped3A : memref<!tpu.dma_semaphore, #tpu.memory_space<semaphore_mem>>) src(%dma_wait3A_34 : memref<116x128xi32, #tpu.memory_space<hbm>>) dst(%arg8 : memref<116x128xi32, #tpu.memory_space<vmem>>)
      tpu.yield
    }) : () -> ()
    %barrier3A = arith.constant 0 : index
    tpu.barrier barrier_id(%barrier3A)
    %eq3A = arith.constant 0 : i32
    %eq3A_5 = arith.cmpi eq, %arg0, %eq3A : i32
    %jit3A = arith.constant 116 : i32
    %jit3A_6 = arith.constant 42 : i32
    %select_n3A = arith.select %eq3A_5, %jit3A, %jit3A_6 : i32
    %while3A = arith.constant 0 : i32
    %while3A_7 = arith.constant 0 : i32
    %while3A_8 = arith.subi %select_n3A, %while3A_7 : i32
    %while3A_9 = arith.addi %while3A_7, %while3A_8 : i32
    %while3A_10 = arith.constant 1 : i32
    %while3A_11 = arith.divsi %while3A_8, %while3A_10 : i32
    %while3A_12 = arith.muli %while3A_11, %while3A_10 : i32
    %while3A_13 = arith.addi %while3A_7, %while3A_12 : i32
    %while3A_14 = arith.constant 1 : i32
    scf.for %while3A_21 = %while3A_7 to %while3A_13 step %while3A_14  : i32 {
      %dma_start3A = arith.constant 0 : i32
      %dma_start3A_22 = tpu.memref_slice %arg7[%while3A_21, %dma_start3A] : memref<116x128xi32, #tpu.memory_space<vmem>> -> memref<1x128xi32, #tpu.memory_space<vmem>>
      %dma_start3A_23 = tpu.memref_squeeze %dma_start3A_22 : memref<1x128xi32, #tpu.memory_space<vmem>> -> memref<128xi32, #tpu.memory_space<vmem>>
      %dma_start3A_24 = arith.constant 0 : i32
      %dma_start3A_25 = arith.constant 0 : i32
      %dma_start3A_26 = tpu.memref_slice %arg2[%dma_start3A_24, %dma_start3A_25] : memref<10000x128xf32, #tpu.memory_space<hbm>> -> memref<10000x128xf32, #tpu.memory_space<hbm>>
      tpu.enqueue_indirect_dma source(%dma_start3A_26 : memref<10000x128xf32, #tpu.memory_space<hbm>>) target(%arg9 : memref<128x128xf32, #tpu.memory_space<vmem>>) offsets(%dma_start3A_23 : memref<128xi32, #tpu.memory_space<vmem>>) semaphore(%arg11 : memref<!tpu.dma_semaphore, #tpu.memory_space<semaphore_mem>>)
      %dma_wait3A = arith.constant 0 : i32
      %dma_wait3A_27 = tpu.memref_slice %arg7[%while3A_21, %dma_wait3A] : memref<116x128xi32, #tpu.memory_space<vmem>> -> memref<1x128xi32, #tpu.memory_space<vmem>>
      %dma_wait3A_28 = tpu.memref_squeeze %dma_wait3A_27 : memref<1x128xi32, #tpu.memory_space<vmem>> -> memref<128xi32, #tpu.memory_space<vmem>>
      %dma_wait3A_29 = arith.constant 0 : i32
      %dma_wait3A_30 = arith.constant 0 : i32
      %dma_wait3A_31 = tpu.memref_slice %arg2[%dma_wait3A_29, %dma_wait3A_30] : memref<10000x128xf32, #tpu.memory_space<hbm>> -> memref<10000x128xf32, #tpu.memory_space<hbm>>
      tpu.wait_indirect_dma semaphore(%arg11 : memref<!tpu.dma_semaphore, #tpu.memory_space<semaphore_mem>>) src(%dma_wait3A_31 : memref<10000x128xf32, #tpu.memory_space<hbm>>) dst(%arg9 : memref<128x128xf32, #tpu.memory_space<vmem>>)
      "tpu.region"() ({
        %run_scoped3A = tpu.sem_alloc : memref<!tpu.dma_semaphore, #tpu.memory_space<semaphore_mem>>
        %dma_start3A_32 = arith.constant 0 : i32
        %dma_start3A_33 = tpu.memref_slice %arg8[%while3A_21, %dma_start3A_32] : memref<116x128xi32, #tpu.memory_space<vmem>> -> memref<1x128xi32, #tpu.memory_space<vmem>>
        %dma_start3A_34 = tpu.memref_squeeze %dma_start3A_33 : memref<1x128xi32, #tpu.memory_space<vmem>> -> memref<128xi32, #tpu.memory_space<vmem>>
        %dma_start3A_35 = arith.constant 0 : i32
        %dma_start3A_36 = arith.constant 0 : i32
        %dma_start3A_37 = tpu.memref_slice %arg10[%dma_start3A_35, %dma_start3A_36] : memref<10112x128xf32, #tpu.memory_space<vmem_shared>> -> memref<10112x128xf32, #tpu.memory_space<vmem_shared>>
        tpu.enqueue_indirect_dma source(%arg9 : memref<128x128xf32, #tpu.memory_space<vmem>>) target(%dma_start3A_37 : memref<10112x128xf32, #tpu.memory_space<vmem_shared>>) offsets(%dma_start3A_34 : memref<128xi32, #tpu.memory_space<vmem>>) semaphore(%run_scoped3A : memref<!tpu.dma_semaphore, #tpu.memory_space<semaphore_mem>>) {add = true}
        %dma_wait3A_38 = arith.constant 0 : i32
        %dma_wait3A_39 = tpu.memref_slice %arg8[%while3A_21, %dma_wait3A_38] : memref<116x128xi32, #tpu.memory_space<vmem>> -> memref<1x128xi32, #tpu.memory_space<vmem>>
        %dma_wait3A_40 = tpu.memref_squeeze %dma_wait3A_39 : memref<1x128xi32, #tpu.memory_space<vmem>> -> memref<128xi32, #tpu.memory_space<vmem>>
        %dma_wait3A_41 = arith.constant 0 : i32
        %dma_wait3A_42 = arith.constant 0 : i32
        %dma_wait3A_43 = tpu.memref_slice %arg10[%dma_wait3A_41, %dma_wait3A_42] : memref<10112x128xf32, #tpu.memory_space<vmem_shared>> -> memref<10112x128xf32, #tpu.memory_space<vmem_shared>>
        tpu.wait_indirect_dma semaphore(%run_scoped3A : memref<!tpu.dma_semaphore, #tpu.memory_space<semaphore_mem>>) src(%arg9 : memref<128x128xf32, #tpu.memory_space<vmem>>) dst(%dma_wait3A_43 : memref<10112x128xf32, #tpu.memory_space<vmem_shared>>)
        tpu.yield
      }) : () -> ()
    }
    %while3A_15 = arith.constant 1 : i32
    scf.for %while3A_21 = %while3A_13 to %while3A_9 step %while3A_15  : i32 {
      %dma_start3A = arith.constant 0 : i32
      %dma_start3A_22 = tpu.memref_slice %arg7[%while3A_21, %dma_start3A] : memref<116x128xi32, #tpu.memory_space<vmem>> -> memref<1x128xi32, #tpu.memory_space<vmem>>
      %dma_start3A_23 = tpu.memref_squeeze %dma_start3A_22 : memref<1x128xi32, #tpu.memory_space<vmem>> -> memref<128xi32, #tpu.memory_space<vmem>>
      %dma_start3A_24 = arith.constant 0 : i32
      %dma_start3A_25 = arith.constant 0 : i32
      %dma_start3A_26 = tpu.memref_slice %arg2[%dma_start3A_24, %dma_start3A_25] : memref<10000x128xf32, #tpu.memory_space<hbm>> -> memref<10000x128xf32, #tpu.memory_space<hbm>>
      tpu.enqueue_indirect_dma source(%dma_start3A_26 : memref<10000x128xf32, #tpu.memory_space<hbm>>) target(%arg9 : memref<128x128xf32, #tpu.memory_space<vmem>>) offsets(%dma_start3A_23 : memref<128xi32, #tpu.memory_space<vmem>>) semaphore(%arg11 : memref<!tpu.dma_semaphore, #tpu.memory_space<semaphore_mem>>)
      %dma_wait3A = arith.constant 0 : i32
      %dma_wait3A_27 = tpu.memref_slice %arg7[%while3A_21, %dma_wait3A] : memref<116x128xi32, #tpu.memory_space<vmem>> -> memref<1x128xi32, #tpu.memory_space<vmem>>
      %dma_wait3A_28 = tpu.memref_squeeze %dma_wait3A_27 : memref<1x128xi32, #tpu.memory_space<vmem>> -> memref<128xi32, #tpu.memory_space<vmem>>
      %dma_wait3A_29 = arith.constant 0 : i32
      %dma_wait3A_30 = arith.constant 0 : i32
      %dma_wait3A_31 = tpu.memref_slice %arg2[%dma_wait3A_29, %dma_wait3A_30] : memref<10000x128xf32, #tpu.memory_space<hbm>> -> memref<10000x128xf32, #tpu.memory_space<hbm>>
      tpu.wait_indirect_dma semaphore(%arg11 : memref<!tpu.dma_semaphore, #tpu.memory_space<semaphore_mem>>) src(%dma_wait3A_31 : memref<10000x128xf32, #tpu.memory_space<hbm>>) dst(%arg9 : memref<128x128xf32, #tpu.memory_space<vmem>>)
      "tpu.region"() ({
        %run_scoped3A = tpu.sem_alloc : memref<!tpu.dma_semaphore, #tpu.memory_space<semaphore_mem>>
        %dma_start3A_32 = arith.constant 0 : i32
        %dma_start3A_33 = tpu.memref_slice %arg8[%while3A_21, %dma_start3A_32] : memref<116x128xi32, #tpu.memory_space<vmem>> -> memref<1x128xi32, #tpu.memory_space<vmem>>
        %dma_start3A_34 = tpu.memref_squeeze %dma_start3A_33 : memref<1x128xi32, #tpu.memory_space<vmem>> -> memref<128xi32, #tpu.memory_space<vmem>>
        %dma_start3A_35 = arith.constant 0 : i32
        %dma_start3A_36 = arith.constant 0 : i32
        %dma_start3A_37 = tpu.memref_slice %arg10[%dma_start3A_35, %dma_start3A_36] : memref<10112x128xf32, #tpu.memory_space<vmem_shared>> -> memref<10112x128xf32, #tpu.memory_space<vmem_shared>>
        tpu.enqueue_indirect_dma source(%arg9 : memref<128x128xf32, #tpu.memory_space<vmem>>) target(%dma_start3A_37 : memref<10112x128xf32, #tpu.memory_space<vmem_shared>>) offsets(%dma_start3A_34 : memref<128xi32, #tpu.memory_space<vmem>>) semaphore(%run_scoped3A : memref<!tpu.dma_semaphore, #tpu.memory_space<semaphore_mem>>) {add = true}
        %dma_wait3A_38 = arith.constant 0 : i32
        %dma_wait3A_39 = tpu.memref_slice %arg8[%while3A_21, %dma_wait3A_38] : memref<116x128xi32, #tpu.memory_space<vmem>> -> memref<1x128xi32, #tpu.memory_space<vmem>>
        %dma_wait3A_40 = tpu.memref_squeeze %dma_wait3A_39 : memref<1x128xi32, #tpu.memory_space<vmem>> -> memref<128xi32, #tpu.memory_space<vmem>>
        %dma_wait3A_41 = arith.constant 0 : i32
        %dma_wait3A_42 = arith.constant 0 : i32
        %dma_wait3A_43 = tpu.memref_slice %arg10[%dma_wait3A_41, %dma_wait3A_42] : memref<10112x128xf32, #tpu.memory_space<vmem_shared>> -> memref<10112x128xf32, #tpu.memory_space<vmem_shared>>
        tpu.wait_indirect_dma semaphore(%run_scoped3A : memref<!tpu.dma_semaphore, #tpu.memory_space<semaphore_mem>>) src(%arg9 : memref<128x128xf32, #tpu.memory_space<vmem>>) dst(%dma_wait3A_43 : memref<10112x128xf32, #tpu.memory_space<vmem_shared>>)
        tpu.yield
      }) : () -> ()
    }
    %barrier3A_16 = arith.constant 0 : index
    tpu.barrier barrier_id(%barrier3A_16)
    %mul3A_17 = arith.constant 632 : i32
    %mul3A_18 = arith.muli %arg1, %mul3A_17 : i32
    %mul3A_19 = arith.constant 632 : i32
    %mul3A_20 = arith.muli %arg1, %mul3A_19 : i32
    "tpu.region"() ({
      %run_scoped3A = tpu.sem_alloc : memref<!tpu.dma_semaphore, #tpu.memory_space<semaphore_mem>>
      %dma_start3A = arith.constant 0 : i32
      %dma_start3A_21 = tpu.memref_slice %arg6[%arg0, %mul3A_20, %dma_start3A] : memref<2x10112x128xf32, #tpu.memory_space<hbm>> -> memref<1x632x128xf32, #tpu.memory_space<hbm>>
      %dma_start3A_22 = tpu.memref_squeeze %dma_start3A_21 : memref<1x632x128xf32, #tpu.memory_space<hbm>> -> memref<632x128xf32, #tpu.memory_space<hbm>>
      %dma_start3A_23 = arith.constant 0 : i32
      %dma_start3A_24 = tpu.memref_slice %arg10[%mul3A_18, %dma_start3A_23] : memref<10112x128xf32, #tpu.memory_space<vmem_shared>> -> memref<632x128xf32, #tpu.memory_space<vmem_shared>>
      tpu.enqueue_dma source(%dma_start3A_24 : memref<632x128xf32, #tpu.memory_space<vmem_shared>>) target(%dma_start3A_22 : memref<632x128xf32, #tpu.memory_space<hbm>>) target_semaphore(%run_scoped3A : memref<!tpu.dma_semaphore, #tpu.memory_space<semaphore_mem>>)
      %dma_wait3A = arith.constant 0 : i32
      %dma_wait3A_25 = tpu.memref_slice %arg6[%arg0, %mul3A_20, %dma_wait3A] : memref<2x10112x128xf32, #tpu.memory_space<hbm>> -> memref<1x632x128xf32, #tpu.memory_space<hbm>>
      %dma_wait3A_26 = tpu.memref_squeeze %dma_wait3A_25 : memref<1x632x128xf32, #tpu.memory_space<hbm>> -> memref<632x128xf32, #tpu.memory_space<hbm>>
      %dma_wait3A_27 = arith.constant 0 : i32
      %dma_wait3A_28 = tpu.memref_slice %arg10[%mul3A_18, %dma_wait3A_27] : memref<10112x128xf32, #tpu.memory_space<vmem_shared>> -> memref<632x128xf32, #tpu.memory_space<vmem_shared>>
      tpu.wait_dma2 semaphore(%run_scoped3A : memref<!tpu.dma_semaphore, #tpu.memory_space<semaphore_mem>>) src(%dma_wait3A_28 : memref<632x128xf32, #tpu.memory_space<vmem_shared>>) dst(%dma_wait3A_26 : memref<632x128xf32, #tpu.memory_space<hbm>>)
      tpu.yield
    }) : () -> ()
    return
  }
}

module attributes {stable_mosaic.version = 14 : i64} {
  func.func @_tc_main_body(%arg0: i32, %arg1: memref<1000x128xf32, #tpu.memory_space<vmem>>, %arg2: memref<1x1000x128xf32, #tpu.memory_space<vmem>>, %arg3: memref<1x1000x128xf32, #tpu.memory_space<vmem>>, %arg4: memref<1000x1xi32, #tpu.memory_space<vmem>>, %arg5: memref<128x96xf32, #tpu.memory_space<vmem>>, %arg6: memref<1x96xf32, #tpu.memory_space<vmem>>, %arg7: memref<96x96xf32, #tpu.memory_space<vmem>>, %arg8: memref<1x96xf32, #tpu.memory_space<vmem>>, %arg9: memref<1x96xf32, #tpu.memory_space<vmem>>, %arg10: memref<1x96xf32, #tpu.memory_space<vmem>>, %arg11: memref<64x96xf32, #tpu.memory_space<vmem>>, %arg12: memref<1x64xf32, #tpu.memory_space<vmem>>) attributes {dimension_semantics = [#tpu.dimension_semantics<arbitrary>], iteration_bounds = array<i64: 10>, scalar_prefetch = 0 : i64, scratch_operands = 0 : i64, tpu.core_type = #tpu.core_type<tc>, window_params = [{transform_indices = @transform_0, window_bounds = array<i64: 1000, 128>}, {transform_indices = @transform_1, window_bounds = array<i64: 1, 1000, 128>}, {transform_indices = @transform_2, window_bounds = array<i64: 1, 1000, 128>}, {transform_indices = @transform_3, window_bounds = array<i64: 1000, 1>}, {pipeline_mode = #tpu.pipeline_mode<synchronous>, transform_indices = @transform_4, window_bounds = array<i64: 128, 96>}, {pipeline_mode = #tpu.pipeline_mode<synchronous>, transform_indices = @transform_5, window_bounds = array<i64: 1, 96>}, {pipeline_mode = #tpu.pipeline_mode<synchronous>, transform_indices = @transform_6, window_bounds = array<i64: 96, 96>}, {pipeline_mode = #tpu.pipeline_mode<synchronous>, transform_indices = @transform_7, window_bounds = array<i64: 1, 96>}, {pipeline_mode = #tpu.pipeline_mode<synchronous>, transform_indices = @transform_8, window_bounds = array<i64: 1, 96>}, {pipeline_mode = #tpu.pipeline_mode<synchronous>, transform_indices = @transform_9, window_bounds = array<i64: 1, 96>}, {pipeline_mode = #tpu.pipeline_mode<synchronous>, transform_indices = @transform_10, window_bounds = array<i64: 64, 96>}, {pipeline_mode = #tpu.pipeline_mode<synchronous>, transform_indices = @transform_11, window_bounds = array<i64: 1, 64>}]} {
    %get3A = arith.constant 0 : index
    %get3A_0 = arith.constant 0 : index
    %get3A_1 = vector.load %arg1[%get3A, %get3A_0] : memref<1000x128xf32, #tpu.memory_space<vmem>>, vector<1000x128xf32>
    %get3A_2 = arith.constant 0 : index
    %get3A_3 = arith.constant 0 : index
    %get3A_4 = arith.constant 0 : index
    %get3A_5 = vector.load %arg2[%get3A_2, %get3A_3, %get3A_4] : memref<1x1000x128xf32, #tpu.memory_space<vmem>>, vector<1x1000x128xf32>
    %get3A_6 = vector.shape_cast %get3A_5 : vector<1x1000x128xf32> to vector<1000x128xf32>
    %add3A = arith.addf %get3A_1, %get3A_6 : vector<1000x128xf32>
    %get3A_7 = arith.constant 0 : index
    %get3A_8 = arith.constant 0 : index
    %get3A_9 = arith.constant 0 : index
    %get3A_10 = vector.load %arg3[%get3A_7, %get3A_8, %get3A_9] : memref<1x1000x128xf32, #tpu.memory_space<vmem>>, vector<1x1000x128xf32>
    %get3A_11 = vector.shape_cast %get3A_10 : vector<1x1000x128xf32> to vector<1000x128xf32>
    %add3A_12 = arith.addf %add3A, %get3A_11 : vector<1000x128xf32>
    %get3A_13 = arith.constant 0 : index
    %get3A_14 = arith.constant 0 : index
    %get3A_15 = vector.load %arg5[%get3A_13, %get3A_14] : memref<128x96xf32, #tpu.memory_space<vmem>>, vector<128x96xf32>
    %dot_general3A = arith.constant dense<0.000000e+00> : vector<1000x96xf32>
    %dot_general3A_16 = tpu.matmul %add3A_12, %get3A_15, %dot_general3A {dimension_numbers = #tpu.dot_dimension_numbers<[1], [0], [0], [1], [0, 0, 1, 1], [], []>, transpose_lhs_hint = false} : vector<1000x128xf32>, vector<128x96xf32>, vector<1000x96xf32> -> vector<1000x96xf32>
    %get3A_17 = arith.constant 0 : index
    %get3A_18 = arith.constant 0 : index
    %get3A_19 = vector.load %arg6[%get3A_17, %get3A_18] : memref<1x96xf32, #tpu.memory_space<vmem>>, vector<1x96xf32>
    %add3A_20 = vector.broadcast %get3A_19 : vector<1x96xf32> to vector<1000x96xf32>
    %add3A_21 = arith.addf %dot_general3A_16, %add3A_20 : vector<1000x96xf32>
    %max3A = arith.constant 0.000000e+00 : f32
    %max3A_22 = vector.broadcast %max3A : f32 to vector<1000x96xf32>
    %max3A_23 = arith.maximumf %add3A_21, %max3A_22 : vector<1000x96xf32>
    %get3A_24 = arith.constant 0 : index
    %get3A_25 = arith.constant 0 : index
    %get3A_26 = vector.load %arg7[%get3A_24, %get3A_25] : memref<96x96xf32, #tpu.memory_space<vmem>>, vector<96x96xf32>
    %dot_general3A_27 = arith.constant dense<0.000000e+00> : vector<1000x96xf32>
    %dot_general3A_28 = tpu.matmul %max3A_23, %get3A_26, %dot_general3A_27 {dimension_numbers = #tpu.dot_dimension_numbers<[1], [0], [0], [1], [0, 0, 1, 1], [], []>, transpose_lhs_hint = false} : vector<1000x96xf32>, vector<96x96xf32>, vector<1000x96xf32> -> vector<1000x96xf32>
    %get3A_29 = arith.constant 0 : index
    %get3A_30 = arith.constant 0 : index
    %get3A_31 = vector.load %arg8[%get3A_29, %get3A_30] : memref<1x96xf32, #tpu.memory_space<vmem>>, vector<1x96xf32>
    %add3A_32 = vector.broadcast %get3A_31 : vector<1x96xf32> to vector<1000x96xf32>
    %add3A_33 = arith.addf %dot_general3A_28, %add3A_32 : vector<1000x96xf32>
    %max3A_34 = arith.constant 0.000000e+00 : f32
    %max3A_35 = vector.broadcast %max3A_34 : f32 to vector<1000x96xf32>
    %max3A_36 = arith.maximumf %add3A_33, %max3A_35 : vector<1000x96xf32>
    %get3A_37 = arith.constant 0 : index
    %get3A_38 = arith.constant 0 : index
    %get3A_39 = vector.load %arg4[%get3A_37, %get3A_38] : memref<1000x1xi32, #tpu.memory_space<vmem>>, vector<1000x1xi32>
    %iota3A = tpu.iota {dimensions = array<i32: 1>} : vector<1000x64xi32>
    %eq3A = vector.broadcast %get3A_39 : vector<1000x1xi32> to vector<1000x64xi32>
    %eq3A_40 = arith.cmpi eq, %eq3A, %iota3A : vector<1000x64xi32>
    %convert_element_type3A = arith.extui %eq3A_40 : vector<1000x64xi1> to vector<1000x64xi32>
    %convert_element_type3A_41 = arith.sitofp %convert_element_type3A : vector<1000x64xi32> to vector<1000x64xf32>
    %dot_general3A_42 = arith.constant dense<0.000000e+00> : vector<64x96xf32>
    %dot_general3A_43 = tpu.matmul %convert_element_type3A_41, %max3A_36, %dot_general3A_42 {dimension_numbers = #tpu.dot_dimension_numbers<[0], [0], [1], [1], [0, 1, 1, 1], [], []>, transpose_lhs_hint = false} : vector<1000x64xf32>, vector<1000x96xf32>, vector<64x96xf32> -> vector<64x96xf32>
    %eq3A_44 = arith.constant 0 : i32
    %eq3A_45 = arith.cmpi eq, %arg0, %eq3A_44 : i32
    %convert_element_type3A_46 = arith.extui %eq3A_45 : i1 to i32
    %cond3A = arith.constant 0 : i32
    %cond3A_47 = arith.cmpi ne, %convert_element_type3A_46, %cond3A : i32
    scf.if %cond3A_47 {
      %broadcast_in_dim3A_82 = arith.constant 0.000000e+00 : f32
      %broadcast_in_dim3A_83 = vector.broadcast %broadcast_in_dim3A_82 : f32 to vector<1x96xf32>
      %swap3A_84 = arith.constant 0 : index
      %swap3A_85 = arith.constant 0 : index
      %swap3A_86 = vector.load %arg9[%swap3A_84, %swap3A_85] : memref<1x96xf32, #tpu.memory_space<vmem>>, vector<1x96xf32>
      tpu.vector_store %arg9[%swap3A_84, %swap3A_85], %broadcast_in_dim3A_83 {strides = array<i32>} : memref<1x96xf32, #tpu.memory_space<vmem>>, vector<1x96xf32>,
      %broadcast_in_dim3A_87 = arith.constant 0.000000e+00 : f32
      %broadcast_in_dim3A_88 = vector.broadcast %broadcast_in_dim3A_87 : f32 to vector<1x96xf32>
      %swap3A_89 = arith.constant 0 : index
      %swap3A_90 = arith.constant 0 : index
      %swap3A_91 = vector.load %arg10[%swap3A_89, %swap3A_90] : memref<1x96xf32, #tpu.memory_space<vmem>>, vector<1x96xf32>
      tpu.vector_store %arg10[%swap3A_89, %swap3A_90], %broadcast_in_dim3A_88 {strides = array<i32>} : memref<1x96xf32, #tpu.memory_space<vmem>>, vector<1x96xf32>,
      %broadcast_in_dim3A_92 = arith.constant 0.000000e+00 : f32
      %broadcast_in_dim3A_93 = vector.broadcast %broadcast_in_dim3A_92 : f32 to vector<64x96xf32>
      %swap3A_94 = arith.constant 0 : index
      %swap3A_95 = arith.constant 0 : index
      %swap3A_96 = vector.load %arg11[%swap3A_94, %swap3A_95] : memref<64x96xf32, #tpu.memory_space<vmem>>, vector<64x96xf32>
      tpu.vector_store %arg11[%swap3A_94, %swap3A_95], %broadcast_in_dim3A_93 {strides = array<i32>} : memref<64x96xf32, #tpu.memory_space<vmem>>, vector<64x96xf32>,
      %broadcast_in_dim3A_97 = arith.constant 0.000000e+00 : f32
      %broadcast_in_dim3A_98 = vector.broadcast %broadcast_in_dim3A_97 : f32 to vector<1x64xf32>
      %swap3A_99 = arith.constant 0 : index
      %swap3A_100 = arith.constant 0 : index
      %swap3A_101 = vector.load %arg12[%swap3A_99, %swap3A_100] : memref<1x64xf32, #tpu.memory_space<vmem>>, vector<1x64xf32>
      tpu.vector_store %arg12[%swap3A_99, %swap3A_100], %broadcast_in_dim3A_98 {strides = array<i32>} : memref<1x64xf32, #tpu.memory_space<vmem>>, vector<1x64xf32>,
    } else {
    }
    %get3A_48 = arith.constant 0 : index
    %get3A_49 = arith.constant 0 : index
    %get3A_50 = vector.load %arg9[%get3A_48, %get3A_49] : memref<1x96xf32, #tpu.memory_space<vmem>>, vector<1x96xf32>
    %reduce_sum3A = arith.constant dense<0.000000e+00> : vector<96xf32>
    %reduce_sum3A_51 = vector.multi_reduction <add>, %max3A_36, %reduce_sum3A [0] : vector<1000x96xf32> to vector<96xf32>
    %broadcast_in_dim3A = vector.shape_cast %reduce_sum3A_51 : vector<96xf32> to vector<1x96xf32>
    %add3A_52 = arith.addf %get3A_50, %broadcast_in_dim3A : vector<1x96xf32>
    %swap3A = arith.constant 0 : index
    %swap3A_53 = arith.constant 0 : index
    %swap3A_54 = vector.load %arg9[%swap3A, %swap3A_53] : memref<1x96xf32, #tpu.memory_space<vmem>>, vector<1x96xf32>
    tpu.vector_store %arg9[%swap3A, %swap3A_53], %add3A_52 {strides = array<i32>} : memref<1x96xf32, #tpu.memory_space<vmem>>, vector<1x96xf32>,
    %get3A_55 = arith.constant 0 : index
    %get3A_56 = arith.constant 0 : index
    %get3A_57 = vector.load %arg10[%get3A_55, %get3A_56] : memref<1x96xf32, #tpu.memory_space<vmem>>, vector<1x96xf32>
    %mul3A = arith.mulf %max3A_36, %max3A_36 : vector<1000x96xf32>
    %reduce_sum3A_58 = arith.constant dense<0.000000e+00> : vector<96xf32>
    %reduce_sum3A_59 = vector.multi_reduction <add>, %mul3A, %reduce_sum3A_58 [0] : vector<1000x96xf32> to vector<96xf32>
    %broadcast_in_dim3A_60 = vector.shape_cast %reduce_sum3A_59 : vector<96xf32> to vector<1x96xf32>
    %add3A_61 = arith.addf %get3A_57, %broadcast_in_dim3A_60 : vector<1x96xf32>
    %swap3A_62 = arith.constant 0 : index
    %swap3A_63 = arith.constant 0 : index
    %swap3A_64 = vector.load %arg10[%swap3A_62, %swap3A_63] : memref<1x96xf32, #tpu.memory_space<vmem>>, vector<1x96xf32>
    tpu.vector_store %arg10[%swap3A_62, %swap3A_63], %add3A_61 {strides = array<i32>} : memref<1x96xf32, #tpu.memory_space<vmem>>, vector<1x96xf32>,
    %get3A_65 = arith.constant 0 : index
    %get3A_66 = arith.constant 0 : index
    %get3A_67 = vector.load %arg11[%get3A_65, %get3A_66] : memref<64x96xf32, #tpu.memory_space<vmem>>, vector<64x96xf32>
    %add3A_68 = arith.addf %get3A_67, %dot_general3A_43 : vector<64x96xf32>
    %swap3A_69 = arith.constant 0 : index
    %swap3A_70 = arith.constant 0 : index
    %swap3A_71 = vector.load %arg11[%swap3A_69, %swap3A_70] : memref<64x96xf32, #tpu.memory_space<vmem>>, vector<64x96xf32>
    tpu.vector_store %arg11[%swap3A_69, %swap3A_70], %add3A_68 {strides = array<i32>} : memref<64x96xf32, #tpu.memory_space<vmem>>, vector<64x96xf32>,
    %get3A_72 = arith.constant 0 : index
    %get3A_73 = arith.constant 0 : index
    %get3A_74 = vector.load %arg12[%get3A_72, %get3A_73] : memref<1x64xf32, #tpu.memory_space<vmem>>, vector<1x64xf32>
    %reduce_sum3A_75 = arith.constant dense<0.000000e+00> : vector<64xf32>
    %reduce_sum3A_76 = vector.multi_reduction <add>, %convert_element_type3A_41, %reduce_sum3A_75 [0] : vector<1000x64xf32> to vector<64xf32>
    %broadcast_in_dim3A_77 = vector.shape_cast %reduce_sum3A_76 : vector<64xf32> to vector<1x64xf32>
    %add3A_78 = arith.addf %get3A_74, %broadcast_in_dim3A_77 : vector<1x64xf32>
    %swap3A_79 = arith.constant 0 : index
    %swap3A_80 = arith.constant 0 : index
    %swap3A_81 = vector.load %arg12[%swap3A_79, %swap3A_80] : memref<1x64xf32, #tpu.memory_space<vmem>>, vector<1x64xf32>
    tpu.vector_store %arg12[%swap3A_79, %swap3A_80], %add3A_78 {strides = array<i32>} : memref<1x64xf32, #tpu.memory_space<vmem>>, vector<1x64xf32>,
    return
  }
  func.func @transform_0(%arg0: i32) -> (i32, i32) {
    %c0_i32 = arith.constant 0 : i32
    %c0_i32_0 = arith.constant 0 : i32
    return %arg0, %c0_i32 : i32, i32
  }
  func.func @transform_1(%arg0: i32) -> (i32, i32, i32) {
    %c0_i32 = arith.constant 0 : i32
    %c0_i32_0 = arith.constant 0 : i32
    %c0_i32_1 = arith.constant 0 : i32
    return %c0_i32, %arg0, %c0_i32_0 : i32, i32, i32
  }
  func.func @transform_2(%arg0: i32) -> (i32, i32, i32) {
    %c1_i32 = arith.constant 1 : i32
    %c0_i32 = arith.constant 0 : i32
    %c0_i32_0 = arith.constant 0 : i32
    return %c1_i32, %arg0, %c0_i32 : i32, i32, i32
  }
  func.func @transform_3(%arg0: i32) -> (i32, i32) {
    %c0_i32 = arith.constant 0 : i32
    %c0_i32_0 = arith.constant 0 : i32
    return %arg0, %c0_i32 : i32, i32
  }
  func.func @transform_4(%arg0: i32) -> (i32, i32) {
    %c0_i32 = arith.constant 0 : i32
    %c0_i32_0 = arith.constant 0 : i32
    %c0_i32_1 = arith.constant 0 : i32
    return %c0_i32, %c0_i32_0 : i32, i32
  }
  func.func @transform_5(%arg0: i32) -> (i32, i32) {
    %c0_i32 = arith.constant 0 : i32
    %c0_i32_0 = arith.constant 0 : i32
    %c0_i32_1 = arith.constant 0 : i32
    return %c0_i32, %c0_i32_0 : i32, i32
  }
  func.func @transform_6(%arg0: i32) -> (i32, i32) {
    %c0_i32 = arith.constant 0 : i32
    %c0_i32_0 = arith.constant 0 : i32
    %c0_i32_1 = arith.constant 0 : i32
    return %c0_i32, %c0_i32_0 : i32, i32
  }
  func.func @transform_7(%arg0: i32) -> (i32, i32) {
    %c0_i32 = arith.constant 0 : i32
    %c0_i32_0 = arith.constant 0 : i32
    %c0_i32_1 = arith.constant 0 : i32
    return %c0_i32, %c0_i32_0 : i32, i32
  }
  func.func @transform_8(%arg0: i32) -> (i32, i32) {
    %c0_i32 = arith.constant 0 : i32
    %c0_i32_0 = arith.constant 0 : i32
    %c0_i32_1 = arith.constant 0 : i32
    return %c0_i32, %c0_i32_0 : i32, i32
  }
  func.func @transform_9(%arg0: i32) -> (i32, i32) {
    %c0_i32 = arith.constant 0 : i32
    %c0_i32_0 = arith.constant 0 : i32
    %c0_i32_1 = arith.constant 0 : i32
    return %c0_i32, %c0_i32_0 : i32, i32
  }
  func.func @transform_10(%arg0: i32) -> (i32, i32) {
    %c0_i32 = arith.constant 0 : i32
    %c0_i32_0 = arith.constant 0 : i32
    %c0_i32_1 = arith.constant 0 : i32
    return %c0_i32, %c0_i32_0 : i32, i32
  }
  func.func @transform_11(%arg0: i32) -> (i32, i32) {
    %c0_i32 = arith.constant 0 : i32
    %c0_i32_0 = arith.constant 0 : i32
    %c0_i32_1 = arith.constant 0 : i32
    return %c0_i32, %c0_i32_0 : i32, i32
  }
}

module attributes {stable_mosaic.version = 14 : i64} {
  func.func @_tc_final_body(%arg0: memref<1x96xf32, #tpu.memory_space<vmem>>, %arg1: memref<1x96xf32, #tpu.memory_space<vmem>>, %arg2: memref<64x96xf32, #tpu.memory_space<vmem>>, %arg3: memref<1x64xf32, #tpu.memory_space<vmem>>, %arg4: memref<1x96xf32, #tpu.memory_space<vmem>>, %arg5: memref<1x96xf32, #tpu.memory_space<vmem>>, %arg6: memref<96x192xf32, #tpu.memory_space<vmem>>, %arg7: memref<1x192xf32, #tpu.memory_space<vmem>>, %arg8: memref<192x10xf32, #tpu.memory_space<vmem>>, %arg9: memref<1x10xf32, #tpu.memory_space<vmem>>, %arg10: memref<64x10xf32, #tpu.memory_space<vmem>>) attributes {dimension_semantics = [], scalar_prefetch = 0 : i64, scratch_operands = 0 : i64, tpu.core_type = #tpu.core_type<tc>} {
    %get3A = arith.constant 0 : index
    %get3A_0 = arith.constant 0 : index
    %get3A_1 = vector.load %arg0[%get3A, %get3A_0] : memref<1x96xf32, #tpu.memory_space<vmem>>, vector<1x96xf32>
    %mul3A = arith.constant 9.99999974E-5 : f32
    %mul3A_2 = vector.broadcast %mul3A : f32 to vector<1x96xf32>
    %mul3A_3 = arith.mulf %get3A_1, %mul3A_2 : vector<1x96xf32>
    %get3A_4 = arith.constant 0 : index
    %get3A_5 = arith.constant 0 : index
    %get3A_6 = vector.load %arg1[%get3A_4, %get3A_5] : memref<1x96xf32, #tpu.memory_space<vmem>>, vector<1x96xf32>
    %mul3A_7 = arith.constant 9.99999974E-5 : f32
    %mul3A_8 = vector.broadcast %mul3A_7 : f32 to vector<1x96xf32>
    %mul3A_9 = arith.mulf %get3A_6, %mul3A_8 : vector<1x96xf32>
    %mul3A_10 = arith.mulf %mul3A_3, %mul3A_3 : vector<1x96xf32>
    %sub3A = arith.subf %mul3A_9, %mul3A_10 : vector<1x96xf32>
    %get3A_11 = arith.constant 0 : index
    %get3A_12 = arith.constant 0 : index
    %get3A_13 = vector.load %arg4[%get3A_11, %get3A_12] : memref<1x96xf32, #tpu.memory_space<vmem>>, vector<1x96xf32>
    %add3A = arith.constant 9.99999974E-6 : f32
    %add3A_14 = vector.broadcast %add3A : f32 to vector<1x96xf32>
    %add3A_15 = arith.addf %sub3A, %add3A_14 : vector<1x96xf32>
    %rsqrt3A = math.rsqrt %add3A_15 : vector<1x96xf32>
    %mul3A_16 = arith.mulf %get3A_13, %rsqrt3A : vector<1x96xf32>
    %get3A_17 = arith.constant 0 : index
    %get3A_18 = arith.constant 0 : index
    %get3A_19 = vector.load %arg5[%get3A_17, %get3A_18] : memref<1x96xf32, #tpu.memory_space<vmem>>, vector<1x96xf32>
    %mul3A_20 = arith.mulf %mul3A_3, %mul3A_16 : vector<1x96xf32>
    %sub3A_21 = arith.subf %get3A_19, %mul3A_20 : vector<1x96xf32>
    %get3A_22 = arith.constant 0 : index
    %get3A_23 = arith.constant 0 : index
    %get3A_24 = vector.load %arg3[%get3A_22, %get3A_23] : memref<1x64xf32, #tpu.memory_space<vmem>>, vector<1x64xf32>
    %reshape3A = vector.shape_cast %get3A_24 : vector<1x64xf32> to vector<64x1xf32>
    %get3A_25 = arith.constant 0 : index
    %get3A_26 = arith.constant 0 : index
    %get3A_27 = vector.load %arg2[%get3A_25, %get3A_26] : memref<64x96xf32, #tpu.memory_space<vmem>>, vector<64x96xf32>
    %mul3A_28 = vector.broadcast %mul3A_16 : vector<1x96xf32> to vector<64x96xf32>
    %mul3A_29 = arith.mulf %get3A_27, %mul3A_28 : vector<64x96xf32>
    %mul3A_30 = vector.broadcast %reshape3A : vector<64x1xf32> to vector<64x96xf32>
    %mul3A_31 = vector.broadcast %sub3A_21 : vector<1x96xf32> to vector<64x96xf32>
    %mul3A_32 = arith.mulf %mul3A_30, %mul3A_31 : vector<64x96xf32>
    %add3A_33 = arith.addf %mul3A_29, %mul3A_32 : vector<64x96xf32>
    %get3A_34 = arith.constant 0 : index
    %get3A_35 = arith.constant 0 : index
    %get3A_36 = vector.load %arg6[%get3A_34, %get3A_35] : memref<96x192xf32, #tpu.memory_space<vmem>>, vector<96x192xf32>
    %dot_general3A = arith.constant dense<0.000000e+00> : vector<64x192xf32>
    %dot_general3A_37 = tpu.matmul %add3A_33, %get3A_36, %dot_general3A {dimension_numbers = #tpu.dot_dimension_numbers<[1], [0], [0], [1], [0, 0, 1, 1], [], []>, transpose_lhs_hint = false} : vector<64x96xf32>, vector<96x192xf32>, vector<64x192xf32> -> vector<64x192xf32>
    %get3A_38 = arith.constant 0 : index
    %get3A_39 = arith.constant 0 : index
    %get3A_40 = vector.load %arg7[%get3A_38, %get3A_39] : memref<1x192xf32, #tpu.memory_space<vmem>>, vector<1x192xf32>
    %add3A_41 = vector.broadcast %get3A_40 : vector<1x192xf32> to vector<64x192xf32>
    %add3A_42 = arith.addf %dot_general3A_37, %add3A_41 : vector<64x192xf32>
    %max3A = arith.constant 0.000000e+00 : f32
    %max3A_43 = vector.broadcast %max3A : f32 to vector<64x192xf32>
    %max3A_44 = arith.maximumf %add3A_42, %max3A_43 : vector<64x192xf32>
    %get3A_45 = arith.constant 0 : index
    %get3A_46 = arith.constant 0 : index
    %get3A_47 = vector.load %arg8[%get3A_45, %get3A_46] : memref<192x10xf32, #tpu.memory_space<vmem>>, vector<192x10xf32>
    %dot_general3A_48 = arith.constant dense<0.000000e+00> : vector<64x10xf32>
    %dot_general3A_49 = tpu.matmul %max3A_44, %get3A_47, %dot_general3A_48 {dimension_numbers = #tpu.dot_dimension_numbers<[1], [0], [0], [1], [0, 0, 1, 1], [], []>, transpose_lhs_hint = false} : vector<64x192xf32>, vector<192x10xf32>, vector<64x10xf32> -> vector<64x10xf32>
    %get3A_50 = arith.constant 0 : index
    %get3A_51 = arith.constant 0 : index
    %get3A_52 = vector.load %arg9[%get3A_50, %get3A_51] : memref<1x10xf32, #tpu.memory_space<vmem>>, vector<1x10xf32>
    %add3A_53 = vector.broadcast %get3A_52 : vector<1x10xf32> to vector<64x10xf32>
    %add3A_54 = arith.addf %dot_general3A_49, %add3A_53 : vector<64x10xf32>
    %swap3A = arith.constant 0 : index
    %swap3A_55 = arith.constant 0 : index
    %swap3A_56 = vector.load %arg10[%swap3A, %swap3A_55] : memref<64x10xf32, #tpu.memory_space<vmem>>, vector<64x10xf32>
    tpu.vector_store %arg10[%swap3A, %swap3A_55], %add3A_54 {strides = array<i32>} : memref<64x10xf32, #tpu.memory_space<vmem>>, vector<64x10xf32>,
    return
  }
}

</mosaic_0001>

<sc_bundles>
// kernel: kernel.5.cloned.1.call-start
scs
__scs_entry_jumppad:
0x0: {  	(pc) =	sbr.rel $0x88, $3  }
0x1: {  	(tag) =	ssettag $0x0;
	lr =	simm.s32 $0x1  }
0x2: {  	[smem:$0x3F94] =	sst lr;
	_ =	strace $0xD0000000  }
0x3: {  	_ = 	snop  }
0x4: {  	_ = 	snop  }
0x5: {  	_ = 	snop  }
0x6: {  	_ = 	snop  }
0x7: {  	_ = 	snop  }
__scs_overlays_trampoline_lowered:
0x8: {  	[smem:$0x3FA3] =	sst s0  }
0x9: {  	[smem:$0x3FA4] =	sst s1  }
0xa: {  	[smem:$0x3FA5] =	sst s2  }
0xb: {  	[smem:$0x3FA6] =	sst s3  }
0xc: {  	[smem:$0x3FA7] =	sst s4  }
0xd: {  	[smem:$0x3FA8] =	sst s5  }
0xe: {  	[smem:$0x3FA9] =	sst s6  }
0xf: {  	[smem:$0x3FAA] =	sst s7  }
0x10: {  	[smem:$0x3FAB] =	sst s8  }
0x11: {  	[smem:$0x3FAC] =	sst s9;
	s0 =	simm.s32 @!p0 $0x0  }
0x12: {  	s1 =	sld [smem:$0x3F92];
	s0 =	simm.s32 @p0 $0x1  }
0x13: {  	[smem:$0x3FAD] =	sst s0;
	s0 =	simm.s32 @!p1 $0x0  }
0x14: {  	s2 =	sld [smem:$0x3F91];
	s0 =	simm.s32 @p1 $0x1  }
0x15: {  	[smem:$0x3FAE] =	sst s0;
	s0 =	simm.s32 @!p2 $0x0  }
0x16: {  	s3 =	sld [smem:$0x3FDB];
	s0 =	simm.s32 @p2 $0x1  }
0x17: {  	s4 =	simm.s32 $0x1BF5;
	[smem:$0x3FB0] =	sst s0  }
0x18: {  	s0 =	sld [smem:$0x3F93];
	_ =	swait.ge [sflag:s4], $0x0  }
0x19: {  	s7 =	sld [smem:$0x3F94]  }
0x1a: {  	s8 =	sadd.s32 $0xFFFFE003, lr  }
0x1b: {  	s9 =	sadd.s32 $0xFFFFFEF7, lr;
	s5 =	simm.s32 $0xFFFFFFFF;
	p2 =	slt.u32 s8, $0xFFFFF086  }
0x1c: {  	p1 =	slt.u32 s9, $0xF7A;
	s5 =	simm.s32 @!p2 $0x0  }
0x1d: {  	s5 =	simm.s32 @p1 $0x1;
	p0 =	seq.s32 s7, s2  }
0x1e: {  	s7 =	smul.u32 @!p0 $0xF7A, s2;
	p2 =	seq.s32 @!p0 s5, $0x0  }
0x1f: {  	s9 =	smul.u32 $0xF7A, s1;
	s8 =	simm.s32 @!p0 $0x1BF5;
	p2 =	por !p2, p0  }
0x20: {  	[sflag:s8] =	ssyncset.s32 @!p0 $0xFFFFF086;
	s6 =	sadd.s32 @!p0 s3, s7;
	s7 =	simm.s32 @!p0 $0x108  }
0x21: {  	s3 =	sadd.s32 s3, s9;
	s6 =	sadd.s32 @!p0 $0x88, s6;
	s7 =	simm.s32 @p2 $0x1082  }
0x22: {  	[simem:s7], [sflag:s8] =	dma.local @!p0 [hbm:s6], $0xF7A  }
0x23: {  	s9 =	sor.u32 $0xD0000000, s2;
	s6 =	simm.s32 $0x108;
	_ =	swait.ge @!p0 [sflag:s8], $0x0  }
0x24: {  	s3 =	sadd.s32 $0x88, s3;
	s6 =	simm.s32 @!p1 $0x1082;
	[sflag:s4] =	ssyncset.s32 $0xFFFFF086  }
0x25: {  	[simem:s6], [sflag:s4] =	dma.local [hbm:s3], $0xF7A  }
0x26: {  	[smem:$0x3F94] =	sst s1;
	(tag) =	ssettag s2;
	_ =	strace s9  }
0x27: {  	s1 =	sld [smem:$0x3FA4]  }
0x28: {  	s2 =	sld [smem:$0x3FA5]  }
0x29: {  	s4 =	sld [smem:$0x3FA7]  }
0x2a: {  	p0 =	seq.s32 s5, $0x0;
	s5 =	sld [smem:$0x3FA8]  }
0x2b: {  	s6 =	sld [smem:$0x3FA9]  }
0x2c: {  	s7 =	sld [smem:$0x3FAA]  }
0x2d: {  	s3 =	simm.s32 $0x108;
	s8 =	sld [smem:$0x3FAB]  }
0x2e: {  	s3 =	simm.s32 @!p0 $0x1082;
	s9 =	sld [smem:$0x3FAC]  }
0x2f: {  	lr =	sadd.s32 s0, s3;
	s0 =	sld [smem:$0x3FA3]  }
0x30: {  	s3 =	sld [smem:$0x3FA6]  }
0x31: {  	[smem:$0x3FAF] =	sst s10  }
0x32: {  	s10 =	sld [smem:$0x3FAD];
	_ =	sdelay $0x3  }
0x33: {  	p0 =	seq.s32 s10, $0x1;
	s10 =	sld [smem:$0x3FAF];
	_ =	sdelay $0x3  }
0x34: {  	[smem:$0x3FAF] =	sst s10  }
0x35: {  	s10 =	sld [smem:$0x3FAE];
	_ =	sdelay $0x3  }
0x36: {  	p1 =	seq.s32 s10, $0x1;
	s10 =	sld [smem:$0x3FAF];
	_ =	sdelay $0x3  }
0x37: {  	[smem:$0x3FAF] =	sst s10  }
0x38: {  	s10 =	sld [smem:$0x3FB0]  }
0x39: {  	_ = 	snop;
	(pc) =	sbr.ind lr, $3  }
0x3a: {  	_ = 	snop  }
0x3b: {  	_ = 	snop  }
0x3c: {  	p2 =	seq.s32 s10, $0x1;
	s10 =	sld [smem:$0x3FAF]  }
0x3d: {  	_ =	shalt  }
0x3e: {  	_ =	shalt  }
0x3f: {  	_ =	shalt  }
0x40: {  	_ =	shalt  }
0x41: {  	_ =	shalt  }
0x42: {  	_ =	shalt  }
0x43: {  	_ =	shalt  }
0x44: {  	_ =	shalt  }
0x45: {  	_ =	shalt  }
0x46: {  	_ =	shalt  }
0x47: {  	_ =	shalt  }
0x48: {  	_ =	shalt  }
0x49: {  	_ =	shalt  }
0x4a: {  	_ =	shalt  }
0x4b: {  	_ =	shalt  }
0x4c: {  	_ =	shalt  }
0x4d: {  	_ =	shalt  }
0x4e: {  	_ =	shalt  }
0x4f: {  	_ =	shalt  }
0x50: {  	_ =	shalt  }
0x51: {  	_ =	shalt  }
0x52: {  	_ =	shalt  }
0x53: {  	_ =	shalt  }
0x54: {  	_ =	shalt  }
0x55: {  	_ =	shalt  }
0x56: {  	_ =	shalt  }
0x57: {  	_ =	shalt  }
0x58: {  	_ =	shalt  }
0x59: {  	_ =	shalt  }
0x5a: {  	_ =	shalt  }
0x5b: {  	_ =	shalt  }
0x5c: {  	_ =	shalt  }
0x5d: {  	_ =	shalt  }
0x5e: {  	_ =	shalt  }
0x5f: {  	_ =	shalt  }
0x60: {  	_ =	shalt  }
0x61: {  	_ =	shalt  }
0x62: {  	_ =	shalt  }
0x63: {  	_ =	shalt  }
0x64: {  	_ =	shalt  }
0x65: {  	_ =	shalt  }
0x66: {  	_ =	shalt  }
0x67: {  	_ =	shalt  }
0x68: {  	_ =	shalt  }
0x69: {  	_ =	shalt  }
0x6a: {  	_ =	shalt  }
0x6b: {  	_ =	shalt  }
0x6c: {  	_ =	shalt  }
0x6d: {  	_ =	shalt  }
0x6e: {  	_ =	shalt  }
0x6f: {  	_ =	shalt  }
0x70: {  	_ =	shalt  }
0x71: {  	_ =	shalt  }
0x72: {  	_ =	shalt  }
0x73: {  	_ =	shalt  }
0x74: {  	_ =	shalt  }
0x75: {  	_ =	shalt  }
0x76: {  	_ =	shalt  }
0x77: {  	_ =	shalt  }
0x78: {  	_ =	shalt  }
0x79: {  	_ =	shalt  }
0x7a: {  	_ =	shalt  }
0x7b: {  	_ =	shalt  }
0x7c: {  	_ =	shalt  }
0x7d: {  	_ =	shalt  }
0x7e: {  	_ =	shalt  }
0x7f: {  	_ =	shalt  }
0x80: {  	_ =	shalt  }
0x81: {  	_ =	shalt  }
0x82: {  	_ =	shalt  }
0x83: {  	_ =	shalt  }
0x84: {  	_ =	shalt  }
0x85: {  	_ =	shalt  }
0x86: {  	_ =	shalt  }
0x87: {  	_ =	shalt  }
.Lfunc_end0:
.L_simem_size_0:
called_computation_lowered:
.L_overlay_start_0:
0x88: {  	s2 =	sld [smem:$0x3FD9]  }
0x89: {  	s3 =	sld [smem:$0x3FFE];
	_ =	sdelay $0x1  }
0x8a: {  	s1 =	srdreg.scid  }
0x8b: {  	s0 =	sand.u32 $0x1, s1  }
0x8c: {  	s17 =	sshll.u32 s0, $0xA;
	s2 =	sadd.s32 s3, s2  }
0x8d: {  	s2 =	sadd.s32 s2, s17  }
0x8e: {  	[smem:$0x3FBB] =	sst s2  }
0x8f: {  	_ = 	snop  }
0x90: {  	s2 =	sld [smem:$0x3FC9];
	(tm) =	ssettm $0x1  }
0x91: {  	s18 =	sld [smem:$0x3FFB];
	_ =	sdelay $0x3  }
0x92: {  	_ =	strace s18  }
0x93: {  	s3 =	sld [smem:$0x3FFC];
	_ =	sdelay $0x3  }
0x94: {  	_ =	strace s3  }
0x95: {  	s3 =	sld [smem:$0x3FFD];
	_ =	sdelay $0x3  }
0x96: {  	_ =	strace s3  }
0x97: {  	_ =	strace $0x8FFFFFFF  }
0x98: {  	s19 =	sld [smem:$0x3FDB];
	_ =	sdelay $0x1  }
0x99: {  	s4 =	simm.s32 $_scs_section_size  }
0x9a: {  	s5 =	simm.s32 $_size__tile_overlayer_lowered;
	s6 =	simm.s32 $_tile_overlayer_lowered  }
0x9b: {  	s22 =	simm.s32 $0x1BFF;
	s21 =	sshll.u32 s6, $0x1;
	s3 =	sadd.s32 s4, s19  }
0x9c: {  	s7 =	simm.s32 $0x0;
	s20 =	sshll.u32 s5, $0x1;
	s5 =	sadd.s32 s21, s3  }
0x9d: {  	[timem:s7], [sflag:s22] =	dma.local [hbm:s5], s20  }
0x9e: {  	_ =	swait.ge [sflag:s22], s20  }
0x9f: {  	s4 =	ssub.s32 $0x0, s20;
	[sflag:s22] =	ssyncset.done $0x0  }
0xa0: {  	[sflag:s22] =	ssyncadd.s32 s4;
	_ =	sdelay $0x1  }
0xa1: {  	s23 =	simm.s32 $0x1B8B  }
0xa2: {  	_ =	swait.ge [sflag:s23], $0x1  }
0xa3: {  	[sflag:s23] =	ssyncset.done $0x0  }
0xa4: {  	s25 =	simm.s32 $0x1B8E;
	s24 =	sld [smem:$0x3FFE];
	[sflag:s23] =	ssyncadd.s32 $0xFFFFFFFF  }
0xa5: {  	s26 =	simm.s32 $execute0_lowered;
	[smem:$0x3FD2] =	sst s25  }
0xa6: {  	s5 =	sshll.u32 s26, $0x1;
	_ =	strace $0x80000046;
	[dreg:$0x1] =	wrdreg $0xFFFFFFFF  }
0xa7: {  	s28 =	simm.s32 $_size_execute0_lowered;
	s3 =	sadd.s32 s3, s5;
	[dreg:$0x0] =	wrdreg $0x0  }
0xa8: {  	s5 =	sshll.u32 s28, $0x1;
	[dreg:$0x2] =	wrdreg s3  }
0xa9: {  	[dreg:$0x3] =	wrdreg s5  }
0xaa: {  	[dreg:$0x4] =	wrdreg $0xC0  }
0xab: {  	_ =	task [dreg:s7], $0x5FFFF  }
0xac: {  	[dreg:$0x1] =	wrdreg $0xFFFFFFFF  }
0xad: {  	[dreg:$0x0] =	wrdreg $0x60  }
0xae: {  	[dreg:$0x2] =	wrdreg s2  }
0xaf: {  	[dreg:$0x3] =	wrdreg s24  }
0xb0: {  	[dreg:$0x4] =	wrdreg $0xB8000  }
0xb1: {  	[dreg:$0x5] =	wrdreg $0x9  }
0xb2: {  	_ =	task.clear_ibuf [dreg:s7], $0x6FFFF;
	_ =	strace $0x90000046  }
0xb3: {  	s29 =	simm.s32 $0x9;
	_ =	strace $0x80000048  }
0xb4: {  	_ =	swait.ge [sflag:s29], $0x1  }
0xb5: {  	[sflag:s29] =	ssyncadd.s32 $0xFFFFFFFF  }
0xb6: {  	_ =	strace $0x90000048  }
0xb7: {  	_ =	sfence  }
0xb8: {  	s30 =	sld [smem:$0x0];
	_ =	sdelay $0x2  }
0xb9: {  	s31 =	sshll.u32 s1, $0xD;
	s1 =	sshrl.u32 s1, $0x2  }
0xba: {  	s3 =	sand.u32 $0x4000, s31;
	s1 =	sadd.s32 s1, s30  }
0xbb: {  	s0 =	sor.u32 s3, s0;
	s1 =	sshll.u32 s1, $0x11  }
0xbc: {  	s0 =	sor.u32 s1, s0  }
0xbd: {  	s0 =	sadd.s32 $0x8F2B, s0  }
0xbe: {  	[sflag:s0] =	ssyncadd.remote.s32 $0x1  }
0xbf: {  	_ =	sfence.sel $0xFFFF  }
0xc0: {  	[dreg:$0x0] =	wrdreg $0xFFFFFFFF;
	(pc) =	sbr.abs _section_cstart, $3  }
0xc1: {  	[dreg:$0x1] =	wrdreg $0xFFFFFFFF  }
0xc2: {  	_ =	task.clear_ibuf [dreg:s7], $0x2FFFF;
	_ =	strace $0x9FFFFFFF  }
0xc3: {  	(tm) =	ssettm $0x7FFFFFFF  }
tec
execute0_lowered:
.L_overlay_start_1:
0x0: {  	(tag) =	ssettag $0x1  }
0x1: {  	s2 =	srdreg.scid;
	s1 =	rddreg [dreg:$0x0]  }
0x2: {  	s0 =	stileid.u32;
	s5 =	rddreg [dreg:$0x1]  }
0x3: {  	s3 =	rddreg [dreg:$0x2];
	s4 =	simm.s32 $0x0;
	s14 =	simm.s32 $0x80  }
0x4: {  	s15 =	simm.s32 $0x7800;
	s16 =	simm.s32 $0x1;
	s17 =	simm.s32 $0x0  }
0x5: {  	s9 =	sand.u32 $0x1, s2;
	s25 =	sshll.u32 s0, $0x1;
	s7 =	smul.u32 $0x13C00, s0  }
0x6: {  	[smem:$0x7FF] =	sst s4;
	s28 =	smul.u32 $0x4F000, s0;
	s31 =	sshll.u32 s0, $0x6  }
0x7: {  	s2 =	sor.u32 s9, s25;
	s8 =	smul.u32 $0x13C000, s9;
	s11 =	ssub.s32 $0x2, s9  }
0x8: {  	p0 =	seq.s32 s9, $0x0;
	s9 =	simm.s32 $0x74;
	s6 =	smul.u32 $0x780, s2  }
0x9: {  	s2 =	rddreg [dreg:$0x3];
	_ =	strace $0x80000047;
	s26 =	sshrl.u32 s7, $0x3  }
0xa: {  	s29 =	sshrl.u32 s11, $0x1;
	s30 =	sshrl.u32 s28, $0x2;
	s9 =	simm.s32 @!p0 $0x2A  }
0xb: {  	s7 =	sadd.s32 s7, s8;
	s11 =	ssub.s32 s11, s29;
	s13 =	sadd.s32 s30, s3  }
0xc: {  	s10 =	sadd.s32 s6, s5;
	s6 =	sadd.s32 s26, s5;
	s7 =	sshrl.u32 s7, $0x3  }
0xd: {  	s11 =	smax.u32 s11, $0x1;
	s12 =	sadd.s32 s7, s5;
	s5 =	sadd.s32 $0x20800, s6  }
0xe: {  	s6 =	sor.u32 $0x1C02, s31;
	s7 =	sadd.s32 $0x2800, s10;
	s8 =	sadd.s32 $0x11800, s10  }
0xf: {  	s10 =	sadd.s32 $0x48000, s12;
	s12 =	sshrl.u32 s13, $0x3;
	s13 =	simm.s32 $0x2  }
.LBB2_1:
0x10: {  	[spmem:s12], [sflag:s6] =	dma.local [hbm:s5], $0x2780  }
0x11: {  	_ =	swait.ge [sflag:s13], $0x2780  }
0x12: {  	[sflag:s13] =	ssyncset.done $0x0  }
0x13: {  	[sflag:s13] =	ssyncadd.s32 $0xFFFFD880  }
0x14: {  	[tilespmem:s4], [sflag:$0x2] =	stream.linear.gather [hbm4b:s7+s4], $0x3A00, $0x38;
	[tilespmem:$0x1F400] =	vst v63  }
0x15: {  	_ =	swait.ge [sflag:s13], $0x3A00  }
0x16: {  	[sflag:s13] =	ssyncset.done $0x0  }
0x17: {  	s18 =	simm.s32 $0x3C00;
	[sflag:s13] =	ssyncadd.s32 $0xFFFFC600  }
0x18: {  	[tilespmem:s18], [sflag:$0x2] =	stream.linear.gather [hbm4b:s8+s4], $0x3A00, $0x38;
	[tilespmem:$0x1F400] =	vst v63  }
0x19: {  	_ =	swait.ge [sflag:s13], $0x3A00  }
0x1a: {  	[sflag:s13] =	ssyncset.done $0x0  }
0x1b: {  	[sflag:s13] =	ssyncadd.s32 $0xFFFFC600  }
0x1c: {  	[bflag:$0x0] =	sbarrier.arrive $0xFFFF  }
0x1d: {  	[tilespmem:s15], [sflag:$0x1] =	stream.indirect.gather [hbm4b:s1+s14], $0x80, s4, s14, $0xb8;
	[tilespmem:$0x1F400] =	vst v63  }
0x1e: {  	p0 =	sne.s32 s9, $0x1;
	_ =	swait.ge [sflag:s16], $0x4000  }
.Ltmp0:
0x1f: {  	[sflag:s16] =	ssyncset.done $0x0;
	(pc) =	sbr.rel @!p0 .LBB2_3-.Ltmp0, $4  }
0x20: {  	[sflag:s16] =	ssyncadd.s32 $0xFFFFC000  }
0x21: {  	[spmem:s3] =	stream.indirect.scatter.add.f32 [tilespmem:s15], [sflag:$0x2], $0x80, s18, s14, $0xb8;
	[tilespmem:$0x1F400] =	vst v63  }
0x22: {  	_ =	swait.ge [sflag:s13], $0x4000  }
0x23: {  	s19 =	sadd.s32 $0xFFFFFFFF, s9;
	s20 =	simm.s32 $0x0;
	[sflag:s13] =	ssyncset.done $0x0  }
.LBB2_2:
0x24: {  	[sflag:s13] =	ssyncadd.s32 $0xFFFFC000;
	s20 =	sadd.s32 $0x80, s20;
	s18 =	sadd.s32 $0x80, s18  }
0x25: {  	[tilespmem:s15], [sflag:$0x1] =	stream.indirect.gather [hbm4b:s1+s14], $0x80, s20, s14, $0xb8;
	[tilespmem:$0x1F400] =	vst v63  }
0x26: {  	p0 =	sne.s32 s19, $0x1;
	s19 =	sadd.s32 $0xFFFFFFFF, s19;
	_ =	swait.ge [sflag:s16], $0x4000  }
.Ltmp1:
0x27: {  	[sflag:s16] =	ssyncset.done $0x0;
	(pc) =	sbr.rel @p0 .LBB2_2-.Ltmp1, $4  }
0x28: {  	[sflag:s16] =	ssyncadd.s32 $0xFFFFC000  }
0x29: {  	[spmem:s3] =	stream.indirect.scatter.add.f32 [tilespmem:s15], [sflag:$0x2], $0x80, s18, s14, $0xb8;
	[tilespmem:$0x1F400] =	vst v63  }
0x2a: {  	_ =	swait.ge [sflag:s13], $0x4000  }
0x2b: {  	[sflag:s13] =	ssyncset.done $0x0  }
.LBB2_3:
0x2c: {  	s17 =	sadd.s32 $0x1, s17  }
0x2d: {  	[sflag:s13] =	ssyncadd.s32 $0xFFFFC000;
	p0 =	sne.s32 s17, s11  }
.Ltmp2:
0x2e: {  	[bflag:$0x0] =	sbarrier.arrive $0xFFFF;
	(pc) =	sbr.rel @p0 .LBB2_1-.Ltmp2, $4  }
0x2f: {  	[hbm:s10], [sflag:s6] =	dma.local [spmem:s12], $0x2780  }
0x30: {  	_ =	swait.ge [sflag:s13], $0x2780  }
0x31: {  	[sflag:s13] =	ssyncset.done $0x0  }
0x32: {  	[sflag:s13] =	ssyncadd.s32 $0xFFFFD880  }
0x33: {  	_ =	sfence.sel $0x180000  }
0x34: {  	[bflag:$0x0] =	sbarrier.arrive $0xFFFF  }
0x35: {  	p0 =	sne.s32 s0, $0x0;
	_ =	strace $0x90000047  }
0x36: {  	s0 =	sadd.s32 @!p0 $0x100000, s2;
	[bflag:$0x2] =	sbarrier.arrive $0xFFFF  }
0x37: {  	[sflag:s0] =	ssyncadd.tile.s32 @!p0 $0x1;
	_ =	shalt  }
.Lfunc_end2:
_tile_overlayer_lowered:
.L_overlay_start_2:
0x38: {  	(tag) =	ssettag $0x2  }
0x39: {  	s0 =	rddreg [dreg:$0x0];
	s2 =	stileid.u32  }
0x3a: {  	s1 =	rddreg [dreg:$0x1];
	p0 =	sne.s32 s2, $0x0  }
0x3b: {  	s3 =	rddreg [dreg:$0x2];
	[bflag:$0x3] =	sbarrier.arrive $0xFFFF;
	s2 =	simm.s32 @!p0 $0x1C02  }
0x3c: {  	[timem:s3], [sflag:s2] =	dma.local @!p0 [hbm:s0], s1  }
0x3d: {  	s0 =	simm.s32 @!p0 $0x2  }
0x3e: {  	_ =	swait.ge @!p0 [sflag:s0], s1  }
0x3f: {  	s1 =	ssub.s32 @!p0 $0x0, s1;
	[sflag:s0] =	ssyncset.done @!p0 $0x0  }
0x40: {  	[sflag:s0] =	ssyncadd.s32 @!p0 s1  }
0x41: {  	[bflag:$0x3] =	sbarrier.arrive $0xFFFF  }
0x42: {  	_ =	shalt  }

</sc_bundles>
